<compile_context>
chip_gen: v7x
topology: tpu7x:2x2x1
jax: 0.10.2.dev20260603
libtpu: 0.0.44.dev20260713+nightly
codegen_flags: <defaults>
</compile_context>

<pallas_src>
import dataclasses
import functools

import jax
import jax.numpy as jnp
from jax import lax
from jax.experimental import pallas as pl
from jax.experimental.pallas import tpu as pltpu
from jax.experimental.pallas import tpu_sc as plsc

_NBINS = 65537
_BINS = 65536
_N = 1048576
_NC, _NS = 2, 16
_NW = _NC * _NS
_EPT = _N // _NS
_CHUNK = 16384
_NCHUNK = _EPT // _CHUNK
_RED_BLK = 32768


def _compiler_params():
    cp = pltpu.CompilerParams(
        disable_bounds_checks=True,
        disable_semaphore_checks=True,
        skip_device_barrier=True,
    )
    if "needs_layout_passes" in pltpu.CompilerParams.__dataclass_fields__:
        cp = dataclasses.replace(cp, needs_layout_passes=False)
    return cp


def _histograms(halt_steps, rt_true):
    mesh = plsc.VectorSubcoreMesh(core_axis_name="c", subcore_axis_name="s")

    @functools.partial(
        pl.kernel,
        out_type=jax.ShapeDtypeStruct((_NW, _BINS), jnp.int32),
        mesh=mesh,
        scratch_types=[
            pltpu.VMEM((_BINS,), jnp.int32),
            pltpu.VMEM((_CHUNK,), jnp.int32),
            pltpu.VMEM((_CHUNK,), jnp.int32),
            pltpu.SemaphoreType.DMA,
            pltpu.SemaphoreType.DMA,
        ],
        compiler_params=_compiler_params(),
    )
    def hist_kernel(halt_hbm, rt_hbm, out_hbm, hist, buf0, buf1, sem0, sem1):
        c = lax.axis_index("c")
        s = lax.axis_index("s")
        wid = c * _NS + s
        base = s * _EPT

        zeros16 = jnp.zeros((16,), jnp.int32)
        ones16 = jnp.ones((16,), jnp.int32)

        def scatter_chunk(buf):
            v0 = buf[pl.ds(0, 16)]

            @plsc.parallel_loop(0, _CHUNK - 16, step=16, unroll=8, carry=v0)
            def vlast(g, v):
                v_next = buf[pl.ds(g + 16, 16)]
                plsc.addupdate_scatter(hist, [v], ones16)
                return v_next

            plsc.addupdate_scatter(hist, [vlast], ones16)

        def process(in_hbm):
            def start(k, buf, sem):
                pltpu.async_copy(in_hbm.at[pl.ds(base + k * _CHUNK, _CHUNK)], buf, sem)

            def wait(buf, sem):
                pltpu.make_async_copy(in_hbm.at[pl.ds(0, _CHUNK)], buf, sem).wait()

            start(0, buf0, sem0)

            @plsc.parallel_loop(0, _BINS, step=16, unroll=8)
            def _(i):
                hist[pl.ds(i, 16)] = zeros16

            @pl.loop(0, _NCHUNK, step=2)
            def _(k):
                wait(buf0, sem0)
                start(k + 1, buf1, sem1)
                scatter_chunk(buf0)
                wait(buf1, sem1)

                @pl.when(k + 2 < _NCHUNK)
                def _():
                    start(k + 2, buf0, sem0)

                scatter_chunk(buf1)

        @pl.when(c == 0)
        def _():
            process(halt_hbm)

        @pl.when(c == 1)
        def _():
            process(rt_hbm)

        pltpu.sync_copy(hist, out_hbm.at[wid])

    return hist_kernel(halt_steps, rt_true)


def _reduce_body(parts_ref, out_ref, acc_ref):
    i = pl.program_id(0)
    parts = parts_ref[...]
    p = jnp.sum(parts[0:_NS], axis=0).astype(jnp.float32)
    t = jnp.sum(parts[_NS:_NW], axis=0).astype(jnp.float32)
    part = jnp.sum(jnp.exp(t) * (t - p))

    @pl.when(i == 0)
    def _():
        acc_ref[0] = part

    @pl.when(i > 0)
    def _():
        acc_ref[0] += part

    @pl.when(i == pl.num_programs(0) - 1)
    def _():
        out_ref[...] = (acc_ref[0] * (1.0 / float(_NBINS))).reshape(1, 1)


def kernel(halt_steps, rt_true):
    parts = _histograms(halt_steps, rt_true)
    loss = pl.pallas_call(
        _reduce_body,
        grid=(_BINS // _RED_BLK,),
        in_specs=[pl.BlockSpec((_NW, _RED_BLK), lambda i: (0, i))],
        out_specs=pl.BlockSpec((1, 1), lambda i: (0, 0)),
        out_shape=jax.ShapeDtypeStruct((1, 1), jnp.float32),
        scratch_shapes=[pltpu.SMEM((1,), jnp.float32)],
        compiler_params=pltpu.CompilerParams(
            disable_bounds_checks=True,
            skip_device_barrier=True,
            dimension_semantics=("arbitrary",),
        ),
    )(parts)
    return loss[0, 0]

# --- scband reference (transcript-rebuilt; emitter-appended) ---
"""Pipeline reference for scband-batch-cognitive-loss-20315195310530 (READ-ONLY COPY).

The authoritative reference and input builder live on the scoring server;
editing this copy changes nothing except your own understanding.
"""

import jax, jax.numpy as jnp
import numpy as np

MAX_STEPS = 65536
N = 1048576


def setup_inputs(seed: int = 0) -> dict:
    key = jax.random.key(seed)
    k1, k2 = jax.random.split(key)
    halt_steps = jax.random.randint(k1, (N,), 0, 65536, dtype=jnp.int32)
    rt_true = jax.random.randint(k2, (N,), 0, 65536, dtype=jnp.int32)
    return {"halt_steps": halt_steps, "rt_true": rt_true}


def reference(halt_steps, rt_true):
    # steps = halt_steps.max() is computed in the torch module but never used.
    # trial_types is None -> single _compute_rt_loss call.
    # torch.unique(return_counts=True) + scatter-add into zeros(max_steps+1)
    # is exactly a bincount with length max_steps+1.
    p_rt_true = jnp.bincount(rt_true, length=MAX_STEPS + 1).astype(jnp.float32)
    p_rt_pred = jnp.bincount(halt_steps, length=MAX_STEPS + 1).astype(jnp.float32)
    # nn.KLDivLoss(reduction='batchmean', log_target=True)(input=p_rt_pred, target=p_rt_true):
    #   pointwise = exp(target) * (target - input); batchmean divides by input.shape[0].
    loss = jnp.sum(jnp.exp(p_rt_true) * (p_rt_true - p_rt_pred)) / jnp.float32(MAX_STEPS + 1)
    return loss

if __name__ == "__main__":
    import jax
    _d = setup_inputs()
    print(jax.jit(kernel)(*tuple(_d.values())))

</pallas_src>

<mosaic_0001>
#map = affine_map<(d0, d1) -> (0)>
#map1 = affine_map<(d0, d1) -> (0, 0)>
module attributes {stable_mosaic.version = 14 : i64} {
  func.func @hist_kernel(%arg0: i32, %arg1: i32, %arg2: memref<1048576xi32, #tpu.memory_space<hbm>>, %arg3: memref<1048576xi32, #tpu.memory_space<hbm>>, %arg4: memref<32x65536xi32, #tpu.memory_space<hbm>>, %arg5: memref<65536xi32, #tpu.memory_space<vmem>>, %arg6: memref<16384xi32, #tpu.memory_space<vmem>>, %arg7: memref<16384xi32, #tpu.memory_space<vmem>>, %arg8: memref<!tpu.dma_semaphore, #tpu.memory_space<semaphore_mem>>, %arg9: memref<!tpu.dma_semaphore, #tpu.memory_space<semaphore_mem>>) attributes {dimension_semantics = [#tpu.dimension_semantics<core_parallel>, #tpu.dimension_semantics<subcore_parallel>], iteration_bounds = array<i64: 2, 16>, scalar_prefetch = 0 : i64, scratch_operands = 5 : i64, tpu.core_type = #tpu.core_type<sc_vector_subcore>, window_params = [{transform_indices = #map}, {transform_indices = #map}, {transform_indices = #map1}]} {
    %mul3A = arith.constant 16 : i32
    %mul3A_0 = arith.muli %arg0, %mul3A : i32
    %add3A = arith.addi %mul3A_0, %arg1 : i32
    %mul3A_1 = arith.constant 65536 : i32
    %mul3A_2 = arith.muli %arg1, %mul3A_1 : i32
    %broadcast_in_dim3A = arith.constant 0 : i32
    %broadcast_in_dim3A_3 = vector.broadcast %broadcast_in_dim3A : i32 to vector<16xi32>
    %broadcast_in_dim3A_4 = arith.constant 1 : i32
    %broadcast_in_dim3A_5 = vector.broadcast %broadcast_in_dim3A_4 : i32 to vector<16xi32>
    %eq3A = arith.constant 0 : i32
    %eq3A_6 = arith.cmpi eq, %arg0, %eq3A : i32
    %convert_element_type3A = arith.extui %eq3A_6 : i1 to i32
    %cond3A = arith.constant 0 : i32
    %cond3A_7 = arith.cmpi ne, %convert_element_type3A, %cond3A : i32
    scf.if %cond3A_7 {
      %add3A_13 = arith.constant 0 : i32
      %add3A_14 = arith.addi %mul3A_2, %add3A_13 : i32
      %dma_start3A = tpu.memref_slice %arg2[%add3A_14] : memref<1048576xi32, #tpu.memory_space<hbm>> -> memref<16384xi32, #tpu.memory_space<hbm>>
      %dma_start3A_15 = tpu.memref_slice %arg2[%add3A_14] : memref<1048576xi32, #tpu.memory_space<hbm>> -> memref<16384xi32, #tpu.memory_space<hbm>>
      tpu.enqueue_dma source(%dma_start3A_15 : memref<16384xi32, #tpu.memory_space<hbm>>) target(%arg6 : memref<16384xi32, #tpu.memory_space<vmem>>) target_semaphore(%arg8 : memref<!tpu.dma_semaphore, #tpu.memory_space<semaphore_mem>>)
      %parallel_loop3A = arith.constant 0 : i32
      %parallel_loop3A_16 = arith.constant 65536 : i32
      %parallel_loop3A_17 = arith.constant 16 : i32
      scf.for %parallel_loop3A_22 = %parallel_loop3A to %parallel_loop3A_16 step %parallel_loop3A_17  : i32 {
        %parallel_loop3A_23 = arith.index_cast %parallel_loop3A_22 : i32 to index
        %parallel_loop3A_24 = tpu.vector_load %arg5[%parallel_loop3A_23] {strides = array<i32>} : memref<65536xi32, #tpu.memory_space<vmem>>, vector<16xi32>,
        tpu.vector_store %arg5[%parallel_loop3A_23], %broadcast_in_dim3A_3 {strides = array<i32>} : memref<65536xi32, #tpu.memory_space<vmem>>, vector<16xi32>,
      } {sc.loop_unroll_factor = 8 : i64, sc.parallel_access}
      %scan3A = arith.constant 0 : i32
      %scan3A_18 = arith.constant 2 : i32
      %scan3A_19 = arith.addi %scan3A, %scan3A_18 : i32
      %scan3A_20 = arith.constant 1 : i32
      scf.for %scan3A_22 = %scan3A to %scan3A_19 step %scan3A_20  : i32 {
        %mul3A_23 = arith.constant 2 : i32
        %mul3A_24 = arith.muli %scan3A_22, %mul3A_23 : i32
        %add3A_25 = arith.constant 0 : i32
        %add3A_26 = arith.addi %add3A_25, %mul3A_24 : i32
        %dma_wait3A = arith.constant 0 : i32
        %dma_wait3A_27 = tpu.memref_slice %arg2[%dma_wait3A] : memref<1048576xi32, #tpu.memory_space<hbm>> -> memref<16384xi32, #tpu.memory_space<hbm>>
        %dma_wait3A_28 = arith.constant 0 : i32
        %dma_wait3A_29 = tpu.memref_slice %arg2[%dma_wait3A_28] : memref<1048576xi32, #tpu.memory_space<hbm>> -> memref<16384xi32, #tpu.memory_space<hbm>>
        tpu.wait_dma2 semaphore(%arg8 : memref<!tpu.dma_semaphore, #tpu.memory_space<semaphore_mem>>) src(%dma_wait3A_29 : memref<16384xi32, #tpu.memory_space<hbm>>) dst(%arg6 : memref<16384xi32, #tpu.memory_space<vmem>>)
        %add3A_30 = arith.constant 1 : i32
        %add3A_31 = arith.addi %add3A_26, %add3A_30 : i32
        %mul3A_32 = arith.constant 16384 : i32
        %mul3A_33 = arith.muli %add3A_31, %mul3A_32 : i32
        %add3A_34 = arith.addi %mul3A_2, %mul3A_33 : i32
        %dma_start3A_35 = tpu.memref_slice %arg2[%add3A_34] : memref<1048576xi32, #tpu.memory_space<hbm>> -> memref<16384xi32, #tpu.memory_space<hbm>>
        %dma_start3A_36 = tpu.memref_slice %arg2[%add3A_34] : memref<1048576xi32, #tpu.memory_space<hbm>> -> memref<16384xi32, #tpu.memory_space<hbm>>
        tpu.enqueue_dma source(%dma_start3A_36 : memref<16384xi32, #tpu.memory_space<hbm>>) target(%arg7 : memref<16384xi32, #tpu.memory_space<vmem>>) target_semaphore(%arg9 : memref<!tpu.dma_semaphore, #tpu.memory_space<semaphore_mem>>)
        %get3A = arith.constant 0 : index
        %get3A_37 = tpu.vector_load %arg6[%get3A] {strides = array<i32>} : memref<16384xi32, #tpu.memory_space<vmem>>, vector<16xi32>,
        %parallel_loop3A_38 = arith.constant 0 : i32
        %parallel_loop3A_39 = arith.constant 16368 : i32
        %parallel_loop3A_40 = arith.constant 16 : i32
        %parallel_loop3A_41 = scf.for %parallel_loop3A_58 = %parallel_loop3A_38 to %parallel_loop3A_39 step %parallel_loop3A_40 iter_args(%parallel_loop3A_59 = %get3A_37) -> (vector<16xi32>)  : i32 {
          %parallel_loop3A_60 = arith.constant 16 : i32
          %parallel_loop3A_61 = arith.addi %parallel_loop3A_58, %parallel_loop3A_60 : i32
          %parallel_loop3A_62 = arith.index_cast %parallel_loop3A_61 : i32 to index
          %parallel_loop3A_63 = tpu.vector_load %arg6[%parallel_loop3A_62] {strides = array<i32>} : memref<16384xi32, #tpu.memory_space<vmem>>, vector<16xi32>,
          tpu.vector_store_idx %arg5[%parallel_loop3A_59], %broadcast_in_dim3A_5 {add = true} : memref<65536xi32, #tpu.memory_space<vmem>>[vector<16xi32>], vector<16xi32>,
          scf.yield %parallel_loop3A_63 : vector<16xi32>
        } {sc.loop_unroll_factor = 8 : i64, sc.parallel_access}
        tpu.vector_store_idx %arg5[%parallel_loop3A_41], %broadcast_in_dim3A_5 {add = true} : memref<65536xi32, #tpu.memory_space<vmem>>[vector<16xi32>], vector<16xi32>,
        %dma_wait3A_42 = arith.constant 0 : i32
        %dma_wait3A_43 = tpu.memref_slice %arg2[%dma_wait3A_42] : memref<1048576xi32, #tpu.memory_space<hbm>> -> memref<16384xi32, #tpu.memory_space<hbm>>
        %dma_wait3A_44 = arith.constant 0 : i32
        %dma_wait3A_45 = tpu.memref_slice %arg2[%dma_wait3A_44] : memref<1048576xi32, #tpu.memory_space<hbm>> -> memref<16384xi32, #tpu.memory_space<hbm>>
        tpu.wait_dma2 semaphore(%arg9 : memref<!tpu.dma_semaphore, #tpu.memory_space<semaphore_mem>>) src(%dma_wait3A_45 : memref<16384xi32, #tpu.memory_space<hbm>>) dst(%arg7 : memref<16384xi32, #tpu.memory_space<vmem>>)
        %add3A_46 = arith.constant 2 : i32
        %add3A_47 = arith.addi %add3A_26, %add3A_46 : i32
        %lt3A = arith.constant 4 : i32
        %lt3A_48 = arith.cmpi slt, %add3A_47, %lt3A : i32
        %convert_element_type3A_49 = arith.extui %lt3A_48 : i1 to i32
        %cond3A_50 = arith.constant 0 : i32
        %cond3A_51 = arith.cmpi ne, %convert_element_type3A_49, %cond3A_50 : i32
        scf.if %cond3A_51 {
          %add3A_58 = arith.constant 2 : i32
          %add3A_59 = arith.addi %add3A_26, %add3A_58 : i32
          %mul3A_60 = arith.constant 16384 : i32
          %mul3A_61 = arith.muli %add3A_59, %mul3A_60 : i32
          %add3A_62 = arith.addi %mul3A_2, %mul3A_61 : i32
          %dma_start3A_63 = tpu.memref_slice %arg2[%add3A_62] : memref<1048576xi32, #tpu.memory_space<hbm>> -> memref<16384xi32, #tpu.memory_space<hbm>>
          %dma_start3A_64 = tpu.memref_slice %arg2[%add3A_62] : memref<1048576xi32, #tpu.memory_space<hbm>> -> memref<16384xi32, #tpu.memory_space<hbm>>
          tpu.enqueue_dma source(%dma_start3A_64 : memref<16384xi32, #tpu.memory_space<hbm>>) target(%arg6 : memref<16384xi32, #tpu.memory_space<vmem>>) target_semaphore(%arg8 : memref<!tpu.dma_semaphore, #tpu.memory_space<semaphore_mem>>)
        } else {
        }
        %get3A_52 = arith.constant 0 : index
        %get3A_53 = tpu.vector_load %arg7[%get3A_52] {strides = array<i32>} : memref<16384xi32, #tpu.memory_space<vmem>>, vector<16xi32>,
        %parallel_loop3A_54 = arith.constant 0 : i32
        %parallel_loop3A_55 = arith.constant 16368 : i32
        %parallel_loop3A_56 = arith.constant 16 : i32
        %parallel_loop3A_57 = scf.for %parallel_loop3A_58 = %parallel_loop3A_54 to %parallel_loop3A_55 step %parallel_loop3A_56 iter_args(%parallel_loop3A_59 = %get3A_53) -> (vector<16xi32>)  : i32 {
          %parallel_loop3A_60 = arith.constant 16 : i32
          %parallel_loop3A_61 = arith.addi %parallel_loop3A_58, %parallel_loop3A_60 : i32
          %parallel_loop3A_62 = arith.index_cast %parallel_loop3A_61 : i32 to index
          %parallel_loop3A_63 = tpu.vector_load %arg7[%parallel_loop3A_62] {strides = array<i32>} : memref<16384xi32, #tpu.memory_space<vmem>>, vector<16xi32>,
          tpu.vector_store_idx %arg5[%parallel_loop3A_59], %broadcast_in_dim3A_5 {add = true} : memref<65536xi32, #tpu.memory_space<vmem>>[vector<16xi32>], vector<16xi32>,
          scf.yield %parallel_loop3A_63 : vector<16xi32>
        } {sc.loop_unroll_factor = 8 : i64, sc.parallel_access}
        tpu.vector_store_idx %arg5[%parallel_loop3A_57], %broadcast_in_dim3A_5 {add = true} : memref<65536xi32, #tpu.memory_space<vmem>>[vector<16xi32>], vector<16xi32>,
      }
      %scan3A_21 = arith.constant 2 : i32
    } else {
    }
    %eq3A_8 = arith.constant 1 : i32
    %eq3A_9 = arith.cmpi eq, %arg0, %eq3A_8 : i32
    %convert_element_type3A_10 = arith.extui %eq3A_9 : i1 to i32
    %cond3A_11 = arith.constant 0 : i32
    %cond3A_12 = arith.cmpi ne, %convert_element_type3A_10, %cond3A_11 : i32
    scf.if %cond3A_12 {
      %add3A_13 = arith.constant 0 : i32
      %add3A_14 = arith.addi %mul3A_2, %add3A_13 : i32
      %dma_start3A = tpu.memref_slice %arg3[%add3A_14] : memref<1048576xi32, #tpu.memory_space<hbm>> -> memref<16384xi32, #tpu.memory_space<hbm>>
      %dma_start3A_15 = tpu.memref_slice %arg3[%add3A_14] : memref<1048576xi32, #tpu.memory_space<hbm>> -> memref<16384xi32, #tpu.memory_space<hbm>>
      tpu.enqueue_dma source(%dma_start3A_15 : memref<16384xi32, #tpu.memory_space<hbm>>) target(%arg6 : memref<16384xi32, #tpu.memory_space<vmem>>) target_semaphore(%arg8 : memref<!tpu.dma_semaphore, #tpu.memory_space<semaphore_mem>>)
      %parallel_loop3A = arith.constant 0 : i32
      %parallel_loop3A_16 = arith.constant 65536 : i32
      %parallel_loop3A_17 = arith.constant 16 : i32
      scf.for %parallel_loop3A_22 = %parallel_loop3A to %parallel_loop3A_16 step %parallel_loop3A_17  : i32 {
        %parallel_loop3A_23 = arith.index_cast %parallel_loop3A_22 : i32 to index
        %parallel_loop3A_24 = tpu.vector_load %arg5[%parallel_loop3A_23] {strides = array<i32>} : memref<65536xi32, #tpu.memory_space<vmem>>, vector<16xi32>,
        tpu.vector_store %arg5[%parallel_loop3A_23], %broadcast_in_dim3A_3 {strides = array<i32>} : memref<65536xi32, #tpu.memory_space<vmem>>, vector<16xi32>,
      } {sc.loop_unroll_factor = 8 : i64, sc.parallel_access}
      %scan3A = arith.constant 0 : i32
      %scan3A_18 = arith.constant 2 : i32
      %scan3A_19 = arith.addi %scan3A, %scan3A_18 : i32
      %scan3A_20 = arith.constant 1 : i32
      scf.for %scan3A_22 = %scan3A to %scan3A_19 step %scan3A_20  : i32 {
        %mul3A_23 = arith.constant 2 : i32
        %mul3A_24 = arith.muli %scan3A_22, %mul3A_23 : i32
        %add3A_25 = arith.constant 0 : i32
        %add3A_26 = arith.addi %add3A_25, %mul3A_24 : i32
        %dma_wait3A = arith.constant 0 : i32
        %dma_wait3A_27 = tpu.memref_slice %arg3[%dma_wait3A] : memref<1048576xi32, #tpu.memory_space<hbm>> -> memref<16384xi32, #tpu.memory_space<hbm>>
        %dma_wait3A_28 = arith.constant 0 : i32
        %dma_wait3A_29 = tpu.memref_slice %arg3[%dma_wait3A_28] : memref<1048576xi32, #tpu.memory_space<hbm>> -> memref<16384xi32, #tpu.memory_space<hbm>>
        tpu.wait_dma2 semaphore(%arg8 : memref<!tpu.dma_semaphore, #tpu.memory_space<semaphore_mem>>) src(%dma_wait3A_29 : memref<16384xi32, #tpu.memory_space<hbm>>) dst(%arg6 : memref<16384xi32, #tpu.memory_space<vmem>>)
        %add3A_30 = arith.constant 1 : i32
        %add3A_31 = arith.addi %add3A_26, %add3A_30 : i32
        %mul3A_32 = arith.constant 16384 : i32
        %mul3A_33 = arith.muli %add3A_31, %mul3A_32 : i32
        %add3A_34 = arith.addi %mul3A_2, %mul3A_33 : i32
        %dma_start3A_35 = tpu.memref_slice %arg3[%add3A_34] : memref<1048576xi32, #tpu.memory_space<hbm>> -> memref<16384xi32, #tpu.memory_space<hbm>>
        %dma_start3A_36 = tpu.memref_slice %arg3[%add3A_34] : memref<1048576xi32, #tpu.memory_space<hbm>> -> memref<16384xi32, #tpu.memory_space<hbm>>
        tpu.enqueue_dma source(%dma_start3A_36 : memref<16384xi32, #tpu.memory_space<hbm>>) target(%arg7 : memref<16384xi32, #tpu.memory_space<vmem>>) target_semaphore(%arg9 : memref<!tpu.dma_semaphore, #tpu.memory_space<semaphore_mem>>)
        %get3A = arith.constant 0 : index
        %get3A_37 = tpu.vector_load %arg6[%get3A] {strides = array<i32>} : memref<16384xi32, #tpu.memory_space<vmem>>, vector<16xi32>,
        %parallel_loop3A_38 = arith.constant 0 : i32
        %parallel_loop3A_39 = arith.constant 16368 : i32
        %parallel_loop3A_40 = arith.constant 16 : i32
        %parallel_loop3A_41 = scf.for %parallel_loop3A_58 = %parallel_loop3A_38 to %parallel_loop3A_39 step %parallel_loop3A_40 iter_args(%parallel_loop3A_59 = %get3A_37) -> (vector<16xi32>)  : i32 {
          %parallel_loop3A_60 = arith.constant 16 : i32
          %parallel_loop3A_61 = arith.addi %parallel_loop3A_58, %parallel_loop3A_60 : i32
          %parallel_loop3A_62 = arith.index_cast %parallel_loop3A_61 : i32 to index
          %parallel_loop3A_63 = tpu.vector_load %arg6[%parallel_loop3A_62] {strides = array<i32>} : memref<16384xi32, #tpu.memory_space<vmem>>, vector<16xi32>,
          tpu.vector_store_idx %arg5[%parallel_loop3A_59], %broadcast_in_dim3A_5 {add = true} : memref<65536xi32, #tpu.memory_space<vmem>>[vector<16xi32>], vector<16xi32>,
          scf.yield %parallel_loop3A_63 : vector<16xi32>
        } {sc.loop_unroll_factor = 8 : i64, sc.parallel_access}
        tpu.vector_store_idx %arg5[%parallel_loop3A_41], %broadcast_in_dim3A_5 {add = true} : memref<65536xi32, #tpu.memory_space<vmem>>[vector<16xi32>], vector<16xi32>,
        %dma_wait3A_42 = arith.constant 0 : i32
        %dma_wait3A_43 = tpu.memref_slice %arg3[%dma_wait3A_42] : memref<1048576xi32, #tpu.memory_space<hbm>> -> memref<16384xi32, #tpu.memory_space<hbm>>
        %dma_wait3A_44 = arith.constant 0 : i32
        %dma_wait3A_45 = tpu.memref_slice %arg3[%dma_wait3A_44] : memref<1048576xi32, #tpu.memory_space<hbm>> -> memref<16384xi32, #tpu.memory_space<hbm>>
        tpu.wait_dma2 semaphore(%arg9 : memref<!tpu.dma_semaphore, #tpu.memory_space<semaphore_mem>>) src(%dma_wait3A_45 : memref<16384xi32, #tpu.memory_space<hbm>>) dst(%arg7 : memref<16384xi32, #tpu.memory_space<vmem>>)
        %add3A_46 = arith.constant 2 : i32
        %add3A_47 = arith.addi %add3A_26, %add3A_46 : i32
        %lt3A = arith.constant 4 : i32
        %lt3A_48 = arith.cmpi slt, %add3A_47, %lt3A : i32
        %convert_element_type3A_49 = arith.extui %lt3A_48 : i1 to i32
        %cond3A_50 = arith.constant 0 : i32
        %cond3A_51 = arith.cmpi ne, %convert_element_type3A_49, %cond3A_50 : i32
        scf.if %cond3A_51 {
          %add3A_58 = arith.constant 2 : i32
          %add3A_59 = arith.addi %add3A_26, %add3A_58 : i32
          %mul3A_60 = arith.constant 16384 : i32
          %mul3A_61 = arith.muli %add3A_59, %mul3A_60 : i32
          %add3A_62 = arith.addi %mul3A_2, %mul3A_61 : i32
          %dma_start3A_63 = tpu.memref_slice %arg3[%add3A_62] : memref<1048576xi32, #tpu.memory_space<hbm>> -> memref<16384xi32, #tpu.memory_space<hbm>>
          %dma_start3A_64 = tpu.memref_slice %arg3[%add3A_62] : memref<1048576xi32, #tpu.memory_space<hbm>> -> memref<16384xi32, #tpu.memory_space<hbm>>
          tpu.enqueue_dma source(%dma_start3A_64 : memref<16384xi32, #tpu.memory_space<hbm>>) target(%arg6 : memref<16384xi32, #tpu.memory_space<vmem>>) target_semaphore(%arg8 : memref<!tpu.dma_semaphore, #tpu.memory_space<semaphore_mem>>)
        } else {
        }
        %get3A_52 = arith.constant 0 : index
        %get3A_53 = tpu.vector_load %arg7[%get3A_52] {strides = array<i32>} : memref<16384xi32, #tpu.memory_space<vmem>>, vector<16xi32>,
        %parallel_loop3A_54 = arith.constant 0 : i32
        %parallel_loop3A_55 = arith.constant 16368 : i32
        %parallel_loop3A_56 = arith.constant 16 : i32
        %parallel_loop3A_57 = scf.for %parallel_loop3A_58 = %parallel_loop3A_54 to %parallel_loop3A_55 step %parallel_loop3A_56 iter_args(%parallel_loop3A_59 = %get3A_53) -> (vector<16xi32>)  : i32 {
          %parallel_loop3A_60 = arith.constant 16 : i32
          %parallel_loop3A_61 = arith.addi %parallel_loop3A_58, %parallel_loop3A_60 : i32
          %parallel_loop3A_62 = arith.index_cast %parallel_loop3A_61 : i32 to index
          %parallel_loop3A_63 = tpu.vector_load %arg7[%parallel_loop3A_62] {strides = array<i32>} : memref<16384xi32, #tpu.memory_space<vmem>>, vector<16xi32>,
          tpu.vector_store_idx %arg5[%parallel_loop3A_59], %broadcast_in_dim3A_5 {add = true} : memref<65536xi32, #tpu.memory_space<vmem>>[vector<16xi32>], vector<16xi32>,
          scf.yield %parallel_loop3A_63 : vector<16xi32>
        } {sc.loop_unroll_factor = 8 : i64, sc.parallel_access}
        tpu.vector_store_idx %arg5[%parallel_loop3A_57], %broadcast_in_dim3A_5 {add = true} : memref<65536xi32, #tpu.memory_space<vmem>>[vector<16xi32>], vector<16xi32>,
      }
      %scan3A_21 = arith.constant 2 : i32
    } else {
    }
    "tpu.region"() ({
      %run_scoped3A = tpu.sem_alloc : memref<!tpu.dma_semaphore, #tpu.memory_space<semaphore_mem>>
      %dma_start3A = arith.constant 0 : i32
      %dma_start3A_13 = tpu.memref_slice %arg4[%add3A, %dma_start3A] : memref<32x65536xi32, #tpu.memory_space<hbm>> -> memref<1x65536xi32, #tpu.memory_space<hbm>>
      %dma_start3A_14 = tpu.memref_squeeze %dma_start3A_13 : memref<1x65536xi32, #tpu.memory_space<hbm>> -> memref<65536xi32, #tpu.memory_space<hbm>>
      %dma_start3A_15 = arith.constant 0 : i32
      %dma_start3A_16 = tpu.memref_slice %arg4[%add3A, %dma_start3A_15] : memref<32x65536xi32, #tpu.memory_space<hbm>> -> memref<1x65536xi32, #tpu.memory_space<hbm>>
      %dma_start3A_17 = tpu.memref_squeeze %dma_start3A_16 : memref<1x65536xi32, #tpu.memory_space<hbm>> -> memref<65536xi32, #tpu.memory_space<hbm>>
      tpu.enqueue_dma source(%arg5 : memref<65536xi32, #tpu.memory_space<vmem>>) target(%dma_start3A_17 : memref<65536xi32, #tpu.memory_space<hbm>>) target_semaphore(%run_scoped3A : memref<!tpu.dma_semaphore, #tpu.memory_space<semaphore_mem>>)
      %dma_wait3A = arith.constant 0 : i32
      %dma_wait3A_18 = tpu.memref_slice %arg4[%add3A, %dma_wait3A] : memref<32x65536xi32, #tpu.memory_space<hbm>> -> memref<1x65536xi32, #tpu.memory_space<hbm>>
      %dma_wait3A_19 = tpu.memref_squeeze %dma_wait3A_18 : memref<1x65536xi32, #tpu.memory_space<hbm>> -> memref<65536xi32, #tpu.memory_space<hbm>>
      %dma_wait3A_20 = arith.constant 0 : i32
      %dma_wait3A_21 = tpu.memref_slice %arg4[%add3A, %dma_wait3A_20] : memref<32x65536xi32, #tpu.memory_space<hbm>> -> memref<1x65536xi32, #tpu.memory_space<hbm>>
      %dma_wait3A_22 = tpu.memref_squeeze %dma_wait3A_21 : memref<1x65536xi32, #tpu.memory_space<hbm>> -> memref<65536xi32, #tpu.memory_space<hbm>>
      tpu.wait_dma2 semaphore(%run_scoped3A : memref<!tpu.dma_semaphore, #tpu.memory_space<semaphore_mem>>) src(%arg5 : memref<65536xi32, #tpu.memory_space<vmem>>) dst(%dma_wait3A_22 : memref<65536xi32, #tpu.memory_space<hbm>>)
      tpu.yield
    }) : () -> ()
    return
  }
}

module attributes {stable_mosaic.version = 14 : i64} {
  func.func @_reduce_body(%arg0: i32, %arg1: memref<32x32768xi32, #tpu.memory_space<vmem>>, %arg2: memref<1x1xf32, #tpu.memory_space<vmem>>, %arg3: memref<1xf32, #tpu.memory_space<smem>>) attributes {dimension_semantics = [#tpu.dimension_semantics<arbitrary>], iteration_bounds = array<i64: 2>, scalar_prefetch = 0 : i64, scratch_operands = 1 : i64, tpu.core_type = #tpu.core_type<tc>, window_params = [{transform_indices = @transform_0, window_bounds = array<i64: 32, 32768>}, {pipeline_mode = #tpu.pipeline_mode<synchronous>, transform_indices = @transform_1, window_bounds = array<i64: 1, 1>}]} {
    %get3A = arith.constant 0 : index
    %get3A_0 = arith.constant 0 : index
    %get3A_1 = vector.load %arg1[%get3A, %get3A_0] : memref<32x32768xi32, #tpu.memory_space<vmem>>, vector<32x32768xi32>
    %slice3A = vector.extract_strided_slice %get3A_1 {offsets = [0, 0], sizes = [16, 32768], strides = [1, 1]} : vector<32x32768xi32> to vector<16x32768xi32>
    %reduce_sum3A = arith.constant dense<0> : vector<32768xi32>
    %reduce_sum3A_2 = vector.multi_reduction <add>, %slice3A, %reduce_sum3A [0] : vector<16x32768xi32> to vector<32768xi32>
    %convert_element_type3A = arith.sitofp %reduce_sum3A_2 : vector<32768xi32> to vector<32768xf32>
    %slice3A_3 = vector.extract_strided_slice %get3A_1 {offsets = [16, 0], sizes = [16, 32768], strides = [1, 1]} : vector<32x32768xi32> to vector<16x32768xi32>
    %reduce_sum3A_4 = arith.constant dense<0> : vector<32768xi32>
    %reduce_sum3A_5 = vector.multi_reduction <add>, %slice3A_3, %reduce_sum3A_4 [0] : vector<16x32768xi32> to vector<32768xi32>
    %convert_element_type3A_6 = arith.sitofp %reduce_sum3A_5 : vector<32768xi32> to vector<32768xf32>
    %exp3A = math.exp %convert_element_type3A_6 : vector<32768xf32>
    %sub3A = arith.subf %convert_element_type3A_6, %convert_element_type3A : vector<32768xf32>
    %mul3A = arith.mulf %exp3A, %sub3A : vector<32768xf32>
    %reduce_sum3A_7 = vector.shape_cast %mul3A : vector<32768xf32> to vector<1x32768xf32>
    %reduce_sum3A_8 = arith.constant dense<0.000000e+00> : vector<1xf32>
    %reduce_sum3A_9 = vector.multi_reduction <add>, %reduce_sum3A_7, %reduce_sum3A_8 [1] : vector<1x32768xf32> to vector<1xf32>
    %reduce_sum3A_10 = vector.shape_cast %reduce_sum3A_9 : vector<1xf32> to vector<1x1xf32>
    %reduce_sum3A_11 = vector.extract %reduce_sum3A_10[0, 0] : f32 from vector<1x1xf32>
    %eq3A = arith.constant 0 : i32
    %eq3A_12 = arith.cmpi eq, %arg0, %eq3A : i32
    %convert_element_type3A_13 = arith.extui %eq3A_12 : i1 to i32
    %cond3A = arith.constant 0 : i32
    %cond3A_14 = arith.cmpi ne, %convert_element_type3A_13, %cond3A : i32
    scf.if %cond3A_14 {
      %swap3A = arith.constant 0 : index
      %swap3A_24 = memref.load %arg3[%swap3A] : memref<1xf32, #tpu.memory_space<smem>>
      memref.store %reduce_sum3A_11, %arg3[%swap3A] : memref<1xf32, #tpu.memory_space<smem>>
    } else {
    }
    %gt3A = arith.constant 0 : i32
    %gt3A_15 = arith.cmpi sgt, %arg0, %gt3A : i32
    %convert_element_type3A_16 = arith.extui %gt3A_15 : i1 to i32
    %cond3A_17 = arith.constant 0 : i32
    %cond3A_18 = arith.cmpi ne, %convert_element_type3A_16, %cond3A_17 : i32
    scf.if %cond3A_18 {
      %get3A_24 = arith.constant 0 : index
      %get3A_25 = memref.load %arg3[%get3A_24] : memref<1xf32, #tpu.memory_space<smem>>
      %add3A = arith.addf %get3A_25, %reduce_sum3A_11 : f32
      %swap3A = arith.constant 0 : index
      %swap3A_26 = memref.load %arg3[%swap3A] : memref<1xf32, #tpu.memory_space<smem>>
      memref.store %add3A, %arg3[%swap3A] : memref<1xf32, #tpu.memory_space<smem>>
    } else {
    }
    %eq3A_19 = arith.constant 1 : i32
    %eq3A_20 = arith.cmpi eq, %arg0, %eq3A_19 : i32
    %convert_element_type3A_21 = arith.extui %eq3A_20 : i1 to i32
    %cond3A_22 = arith.constant 0 : i32
    %cond3A_23 = arith.cmpi ne, %convert_element_type3A_21, %cond3A_22 : i32
    scf.if %cond3A_23 {
      %get3A_24 = arith.constant 0 : index
      %get3A_25 = memref.load %arg3[%get3A_24] : memref<1xf32, #tpu.memory_space<smem>>
      %mul3A_26 = arith.constant 1.52585562E-5 : f32
      %mul3A_27 = arith.mulf %get3A_25, %mul3A_26 : f32
      %reshape3A = vector.broadcast %mul3A_27 : f32 to vector<1x1xf32>
      %swap3A = arith.constant 0 : index
      %swap3A_28 = arith.constant 0 : index
      %swap3A_29 = vector.load %arg2[%swap3A, %swap3A_28] : memref<1x1xf32, #tpu.memory_space<vmem>>, vector<1x1xf32>
      tpu.vector_store %arg2[%swap3A, %swap3A_28], %reshape3A {strides = array<i32>} : memref<1x1xf32, #tpu.memory_space<vmem>>, vector<1x1xf32>,
    } else {
    }
    return
  }
  func.func @transform_0(%arg0: i32) -> (i32, i32) {
    %c0_i32 = arith.constant 0 : i32
    %c0_i32_0 = arith.constant 0 : i32
    return %c0_i32, %arg0 : i32, i32
  }
  func.func @transform_1(%arg0: i32) -> (i32, i32) {
    %c0_i32 = arith.constant 0 : i32
    %c0_i32_0 = arith.constant 0 : i32
    %c0_i32_1 = arith.constant 0 : i32
    return %c0_i32, %c0_i32_0 : i32, i32
  }
}

</mosaic_0001>

<sc_bundles>
// kernel: kernel.4.cloned.1.call-start
scs
__scs_entry_jumppad:
0x0: {  	(pc) =	sbr.rel $0x88, $3  }
0x1: {  	(tag) =	ssettag $0x0;
	lr =	simm.s32 $0x1  }
0x2: {  	[smem:$0x3F9F] =	sst lr;
	_ =	strace $0xD0000000  }
0x3: {  	_ = 	snop  }
0x4: {  	_ = 	snop  }
0x5: {  	_ = 	snop  }
0x6: {  	_ = 	snop  }
0x7: {  	_ = 	snop  }
__scs_overlays_trampoline_lowered:
0x8: {  	[smem:$0x3FAE] =	sst s0  }
0x9: {  	[smem:$0x3FAF] =	sst s1  }
0xa: {  	[smem:$0x3FB0] =	sst s2  }
0xb: {  	[smem:$0x3FB1] =	sst s3  }
0xc: {  	[smem:$0x3FB2] =	sst s4  }
0xd: {  	[smem:$0x3FB3] =	sst s5  }
0xe: {  	[smem:$0x3FB4] =	sst s6  }
0xf: {  	[smem:$0x3FB5] =	sst s7  }
0x10: {  	[smem:$0x3FB6] =	sst s8  }
0x11: {  	[smem:$0x3FB7] =	sst s9;
	s0 =	simm.s32 @!p0 $0x0  }
0x12: {  	s1 =	sld [smem:$0x3F9D];
	s0 =	simm.s32 @p0 $0x1  }
0x13: {  	[smem:$0x3FB8] =	sst s0;
	s0 =	simm.s32 @!p1 $0x0  }
0x14: {  	s2 =	sld [smem:$0x3F9C];
	s0 =	simm.s32 @p1 $0x1  }
0x15: {  	[smem:$0x3FB9] =	sst s0;
	s0 =	simm.s32 @!p2 $0x0  }
0x16: {  	s3 =	sld [smem:$0x3FDB];
	s0 =	simm.s32 @p2 $0x1  }
0x17: {  	s4 =	simm.s32 $0x1BF5;
	[smem:$0x3FBB] =	sst s0  }
0x18: {  	s0 =	sld [smem:$0x3F9E];
	_ =	swait.ge [sflag:s4], $0x0  }
0x19: {  	s7 =	sld [smem:$0x3F9F]  }
0x1a: {  	s8 =	sadd.s32 $0xFFFFE003, lr  }
0x1b: {  	s9 =	sadd.s32 $0xFFFFFEF7, lr;
	s5 =	simm.s32 $0xFFFFFFFF;
	p2 =	slt.u32 s8, $0xFFFFF086  }
0x1c: {  	p1 =	slt.u32 s9, $0xF7A;
	s5 =	simm.s32 @!p2 $0x0  }
0x1d: {  	s5 =	simm.s32 @p1 $0x1;
	p0 =	seq.s32 s7, s2  }
0x1e: {  	s7 =	smul.u32 @!p0 $0xF7A, s2;
	p2 =	seq.s32 @!p0 s5, $0x0  }
0x1f: {  	s9 =	smul.u32 $0xF7A, s1;
	s8 =	simm.s32 @!p0 $0x1BF5;
	p2 =	por !p2, p0  }
0x20: {  	[sflag:s8] =	ssyncset.s32 @!p0 $0xFFFFF086;
	s6 =	sadd.s32 @!p0 s3, s7;
	s7 =	simm.s32 @!p0 $0x108  }
0x21: {  	s3 =	sadd.s32 s3, s9;
	s6 =	sadd.s32 @!p0 $0x88, s6;
	s7 =	simm.s32 @p2 $0x1082  }
0x22: {  	[simem:s7], [sflag:s8] =	dma.local @!p0 [hbm:s6], $0xF7A  }
0x23: {  	s9 =	sor.u32 $0xD0000000, s2;
	s6 =	simm.s32 $0x108;
	_ =	swait.ge @!p0 [sflag:s8], $0x0  }
0x24: {  	s3 =	sadd.s32 $0x88, s3;
	s6 =	simm.s32 @!p1 $0x1082;
	[sflag:s4] =	ssyncset.s32 $0xFFFFF086  }
0x25: {  	[simem:s6], [sflag:s4] =	dma.local [hbm:s3], $0xF7A  }
0x26: {  	[smem:$0x3F9F] =	sst s1;
	(tag) =	ssettag s2;
	_ =	strace s9  }
0x27: {  	s1 =	sld [smem:$0x3FAF]  }
0x28: {  	s2 =	sld [smem:$0x3FB0]  }
0x29: {  	s4 =	sld [smem:$0x3FB2]  }
0x2a: {  	p0 =	seq.s32 s5, $0x0;
	s5 =	sld [smem:$0x3FB3]  }
0x2b: {  	s6 =	sld [smem:$0x3FB4]  }
0x2c: {  	s7 =	sld [smem:$0x3FB5]  }
0x2d: {  	s3 =	simm.s32 $0x108;
	s8 =	sld [smem:$0x3FB6]  }
0x2e: {  	s3 =	simm.s32 @!p0 $0x1082;
	s9 =	sld [smem:$0x3FB7]  }
0x2f: {  	lr =	sadd.s32 s0, s3;
	s0 =	sld [smem:$0x3FAE]  }
0x30: {  	s3 =	sld [smem:$0x3FB1]  }
0x31: {  	[smem:$0x3FBA] =	sst s10  }
0x32: {  	s10 =	sld [smem:$0x3FB8];
	_ =	sdelay $0x3  }
0x33: {  	p0 =	seq.s32 s10, $0x1;
	s10 =	sld [smem:$0x3FBA];
	_ =	sdelay $0x3  }
0x34: {  	[smem:$0x3FBA] =	sst s10  }
0x35: {  	s10 =	sld [smem:$0x3FB9];
	_ =	sdelay $0x3  }
0x36: {  	p1 =	seq.s32 s10, $0x1;
	s10 =	sld [smem:$0x3FBA];
	_ =	sdelay $0x3  }
0x37: {  	[smem:$0x3FBA] =	sst s10  }
0x38: {  	s10 =	sld [smem:$0x3FBB]  }
0x39: {  	_ = 	snop;
	(pc) =	sbr.ind lr, $3  }
0x3a: {  	_ = 	snop  }
0x3b: {  	_ = 	snop  }
0x3c: {  	p2 =	seq.s32 s10, $0x1;
	s10 =	sld [smem:$0x3FBA]  }
0x3d: {  	_ =	shalt  }
0x3e: {  	_ =	shalt  }
0x3f: {  	_ =	shalt  }
0x40: {  	_ =	shalt  }
0x41: {  	_ =	shalt  }
0x42: {  	_ =	shalt  }
0x43: {  	_ =	shalt  }
0x44: {  	_ =	shalt  }
0x45: {  	_ =	shalt  }
0x46: {  	_ =	shalt  }
0x47: {  	_ =	shalt  }
0x48: {  	_ =	shalt  }
0x49: {  	_ =	shalt  }
0x4a: {  	_ =	shalt  }
0x4b: {  	_ =	shalt  }
0x4c: {  	_ =	shalt  }
0x4d: {  	_ =	shalt  }
0x4e: {  	_ =	shalt  }
0x4f: {  	_ =	shalt  }
0x50: {  	_ =	shalt  }
0x51: {  	_ =	shalt  }
0x52: {  	_ =	shalt  }
0x53: {  	_ =	shalt  }
0x54: {  	_ =	shalt  }
0x55: {  	_ =	shalt  }
0x56: {  	_ =	shalt  }
0x57: {  	_ =	shalt  }
0x58: {  	_ =	shalt  }
0x59: {  	_ =	shalt  }
0x5a: {  	_ =	shalt  }
0x5b: {  	_ =	shalt  }
0x5c: {  	_ =	shalt  }
0x5d: {  	_ =	shalt  }
0x5e: {  	_ =	shalt  }
0x5f: {  	_ =	shalt  }
0x60: {  	_ =	shalt  }
0x61: {  	_ =	shalt  }
0x62: {  	_ =	shalt  }
0x63: {  	_ =	shalt  }
0x64: {  	_ =	shalt  }
0x65: {  	_ =	shalt  }
0x66: {  	_ =	shalt  }
0x67: {  	_ =	shalt  }
0x68: {  	_ =	shalt  }
0x69: {  	_ =	shalt  }
0x6a: {  	_ =	shalt  }
0x6b: {  	_ =	shalt  }
0x6c: {  	_ =	shalt  }
0x6d: {  	_ =	shalt  }
0x6e: {  	_ =	shalt  }
0x6f: {  	_ =	shalt  }
0x70: {  	_ =	shalt  }
0x71: {  	_ =	shalt  }
0x72: {  	_ =	shalt  }
0x73: {  	_ =	shalt  }
0x74: {  	_ =	shalt  }
0x75: {  	_ =	shalt  }
0x76: {  	_ =	shalt  }
0x77: {  	_ =	shalt  }
0x78: {  	_ =	shalt  }
0x79: {  	_ =	shalt  }
0x7a: {  	_ =	shalt  }
0x7b: {  	_ =	shalt  }
0x7c: {  	_ =	shalt  }
0x7d: {  	_ =	shalt  }
0x7e: {  	_ =	shalt  }
0x7f: {  	_ =	shalt  }
0x80: {  	_ =	shalt  }
0x81: {  	_ =	shalt  }
0x82: {  	_ =	shalt  }
0x83: {  	_ =	shalt  }
0x84: {  	_ =	shalt  }
0x85: {  	_ =	shalt  }
0x86: {  	_ =	shalt  }
0x87: {  	_ =	shalt  }
.Lfunc_end0:
.L_simem_size_0:
called_computation_lowered:
.L_overlay_start_0:
0x88: {  	s2 =	sld [smem:$0x3FD9]  }
0x89: {  	s3 =	sld [smem:$0x3FFE];
	_ =	sdelay $0x1  }
0x8a: {  	s1 =	srdreg.scid  }
0x8b: {  	s0 =	sand.u32 $0x1, s1  }
0x8c: {  	s17 =	sshll.u32 s0, $0xA;
	s2 =	sadd.s32 s3, s2  }
0x8d: {  	s2 =	sadd.s32 s2, s17  }
0x8e: {  	[smem:$0x3FC6] =	sst s2  }
0x8f: {  	_ = 	snop  }
0x90: {  	s2 =	sld [smem:$0x3FC9]  }
0x91: {  	s18 =	sld [smem:$0x3FC8];
	(tm) =	ssettm $0x1  }
0x92: {  	s4 =	sld [smem:$0x3FFB];
	_ =	sdelay $0x3  }
0x93: {  	_ =	strace s4  }
0x94: {  	s4 =	sld [smem:$0x3FFC];
	_ =	sdelay $0x3  }
0x95: {  	_ =	strace s4  }
0x96: {  	s4 =	sld [smem:$0x3FFD];
	_ =	sdelay $0x3  }
0x97: {  	_ =	strace s4  }
0x98: {  	_ =	strace $0x8FFFFFFF  }
0x99: {  	s19 =	sld [smem:$0x3FDB];
	_ =	sdelay $0x1  }
0x9a: {  	s5 =	simm.s32 $_scs_section_size  }
0x9b: {  	s6 =	simm.s32 $_size__tile_overlayer_lowered;
	s7 =	simm.s32 $_tile_overlayer_lowered  }
0x9c: {  	s22 =	simm.s32 $0x1BFF;
	s21 =	sshll.u32 s7, $0x1;
	s4 =	sadd.s32 s5, s19  }
0x9d: {  	s8 =	simm.s32 $0x0;
	s20 =	sshll.u32 s6, $0x1;
	s6 =	sadd.s32 s21, s4  }
0x9e: {  	[timem:s8], [sflag:s22] =	dma.local [hbm:s6], s20  }
0x9f: {  	_ =	swait.ge [sflag:s22], s20  }
0xa0: {  	s5 =	ssub.s32 $0x0, s20;
	[sflag:s22] =	ssyncset.done $0x0  }
0xa1: {  	[sflag:s22] =	ssyncadd.s32 s5;
	_ =	sdelay $0x1  }
0xa2: {  	s23 =	simm.s32 $0x1B8B  }
0xa3: {  	_ =	swait.ge [sflag:s23], $0x1  }
0xa4: {  	[sflag:s23] =	ssyncset.done $0x0  }
0xa5: {  	s25 =	simm.s32 $0x1B8E;
	s24 =	sld [smem:$0x3FFE];
	[sflag:s23] =	ssyncadd.s32 $0xFFFFFFFF  }
0xa6: {  	s26 =	simm.s32 $execute0_lowered;
	[smem:$0x3FD2] =	sst s25  }
0xa7: {  	s6 =	sshll.u32 s26, $0x1;
	_ =	strace $0x80000046;
	[dreg:$0x1] =	wrdreg $0xFFFFFFFF  }
0xa8: {  	s28 =	simm.s32 $_size_execute0_lowered;
	s4 =	sadd.s32 s4, s6;
	[dreg:$0x0] =	wrdreg $0x0  }
0xa9: {  	s6 =	sshll.u32 s28, $0x1;
	[dreg:$0x2] =	wrdreg s4  }
0xaa: {  	[dreg:$0x3] =	wrdreg s6  }
0xab: {  	[dreg:$0x4] =	wrdreg $0xC0  }
0xac: {  	_ =	task [dreg:s8], $0x5FFFF  }
0xad: {  	[dreg:$0x1] =	wrdreg $0xFFFFFFFF  }
0xae: {  	[dreg:$0x0] =	wrdreg $0x60  }
0xaf: {  	[dreg:$0x2] =	wrdreg s2  }
0xb0: {  	[dreg:$0x3] =	wrdreg s18  }
0xb1: {  	[dreg:$0x4] =	wrdreg s24  }
0xb2: {  	[dreg:$0x5] =	wrdreg $0x9  }
0xb3: {  	_ =	task.clear_ibuf [dreg:s8], $0x6FFFF;
	_ =	strace $0x90000046  }
0xb4: {  	s29 =	simm.s32 $0x9;
	_ =	strace $0x80000048  }
0xb5: {  	_ =	swait.ge [sflag:s29], $0x1  }
0xb6: {  	[sflag:s29] =	ssyncadd.s32 $0xFFFFFFFF  }
0xb7: {  	_ =	strace $0x90000048  }
0xb8: {  	_ =	sfence  }
0xb9: {  	s30 =	sld [smem:$0x0];
	_ =	sdelay $0x2  }
0xba: {  	s31 =	sshll.u32 s1, $0xD;
	s1 =	sshrl.u32 s1, $0x2  }
0xbb: {  	s3 =	sand.u32 $0x4000, s31;
	s1 =	sadd.s32 s1, s30  }
0xbc: {  	s0 =	sor.u32 s3, s0;
	s1 =	sshll.u32 s1, $0x11  }
0xbd: {  	s0 =	sor.u32 s1, s0  }
0xbe: {  	s0 =	sadd.s32 $0x8F2B, s0  }
0xbf: {  	[sflag:s0] =	ssyncadd.remote.s32 $0x1  }
0xc0: {  	_ =	sfence.sel $0xFFFF  }
0xc1: {  	[dreg:$0x0] =	wrdreg $0xFFFFFFFF;
	(pc) =	sbr.abs _section_cstart, $3  }
0xc2: {  	[dreg:$0x1] =	wrdreg $0xFFFFFFFF  }
0xc3: {  	_ =	task.clear_ibuf [dreg:s8], $0x2FFFF;
	_ =	strace $0x9FFFFFFF  }
0xc4: {  	(tm) =	ssettm $0x7FFFFFFF  }
0xc5: {  	_ =	shalt  }
tec
execute0_lowered:
.L_overlay_start_1:
0x0: {  	(tag) =	ssettag $0x1  }
0x1: {  	s1 =	rddreg [dreg:$0x0];
	s3 =	srdreg.scid  }
0x2: {  	s0 =	stileid.u32;
	s2 =	rddreg [dreg:$0x1]  }
0x3: {  	s8 =	rddreg [dreg:$0x2];
	s12 =	simm.s32 $0x10000;
	s13 =	simm.s32 $0x1  }
0x4: {  	s14 =	simm.s32 $0x14000;
	s15 =	simm.s32 $0x2;
	s16 =	simm.s32 $0x80  }
0x5: {  	s17 =	simm.s32 $0x400;
	s18 =	simm.s32 $0x3;
	s19 =	simm.s32 $0x0  }
0x6: {  	s5 =	sand.u32 $0x1, s3;
	s6 =	sshll.u32 s0, $0x10;
	s7 =	sshll.u32 s0, $0x7  }
0x7: {  	s31 =	sshll.u32 s0, $0xD;
	s3 =	sshll.u32 s5, $0x14;
	s4 =	sand.u32 $0x80000, s6  }
0x8: {  	s7 =	sand.u32 $0x380, s7;
	s29 =	ssub.s32 $0x2, s5;
	p0 =	seq.s32 s5, $0x1  }
0x9: {  	s5 =	sadd.s32 s1, s31;
	s6 =	sor.u32 $0x4000, s6;
	s9 =	sor.u32 s3, s4  }
.Ltmp0:
0xa: {  	s3 =	rddreg [dreg:$0x3];
	s4 =	simm.s32 $0x0;
	(pc) =	sbr.rel .LBB2_1-.Ltmp0, $4  }
0xb: {  	s30 =	sshrl.u32 s29, $0x1;
	s7 =	sor.u32 s7, s9;
	[smem:$0x7FF] =	sst s4  }
0xc: {  	s11 =	ssub.s32 s29, s30;
	s7 =	sshrl.u32 s7, $0x3;
	_ =	strace $0x80000047  }
0xd: {  	s11 =	smax.u32 s11, $0x1;
	s10 =	sadd.s32 s7, s8;
	s7 =	sadd.s32 s2, s31  }
0xe: {  	v0 =	vimm.s32 $0x0;
	v1 =	vimm.s32 $0x1;
	s8 =	sadd.s32 $0x1000, s5;
	s9 =	sadd.s32 $0x1000, s7;
	s10 =	sadd.s32 $0x600, s10  }
.LBB2_26:
0xf: {  	s19 =	sadd.s32 $0x1, s19  }
0x10: {  	p1 =	sne.s32 s19, s11  }
.Ltmp1:
0x11: {  	_ = 	snop;
	(pc) =	sbr.rel @!p1 .LBB2_27-.Ltmp1, $4  }
0x12: {  	[hbm4b:s10+s16] =	stream.strided.scatter [tilespmem:s4], [sflag:$0x3], $0x10000, s17, s16, $0x38;
	[tilespmem:$0x18000] =	vst v63  }
0x13: {  	_ =	swait.ge [sflag:s18], $0x10000  }
0x14: {  	[sflag:s18] =	ssyncset.done $0x0  }
0x15: {  	[sflag:s18] =	ssyncadd.s32 $0xFFFF0000  }
.LBB2_1:
.Ltmp2:
0x16: {  	(pc) =	sbr.rel @!p0 .LBB2_2-.Ltmp2, $1  }
0x17: {  	_ =	sdelay $0x3  }
0x18: {  	[tilespmem:s12], [sflag:$0x1] =	stream.linear.gather [hbm4b:s7+s4], $0x4000, $0x38;
	[tilespmem:$0x18000] =	vst v63  }
0x19: {  	s20 =	simm.s32 $0x40  }
0x1a: {  	[tilespmem:s20+$0xFFFFFFC0] =	vst v0  }
0x1b: {  	[tilespmem:s20+$0x30] =	vst v0  }
0x1c: {  	[tilespmem:s20+$0x20] =	vst v0  }
0x1d: {  	[tilespmem:s20+$0x10] =	vst v0  }
0x1e: {  	[tilespmem:s20+$0x0] =	vst v0  }
0x1f: {  	[tilespmem:s20+$0xFFFFFFF0] =	vst v0  }
0x20: {  	s21 =	simm.s32 $0x0;
	p2 =	por $0x1, $0x1;
	[tilespmem:s20+$0xFFFFFFE0] =	vst v0  }
.LBB2_15:
0x21: {  	s21 =	sadd.s32 $0x80, s21;
	[tilespmem:s20+$0xFFFFFFD0] =	vst v0;
	s20 =	sadd.s32 $0x80, s20  }
0x22: {  	[tilespmem:s20+$0xFFFFFFC0] =	vst v0;
	p1 =	slt.u32 s21, $0xFF80  }
0x23: {  	[tilespmem:s20+$0x30] =	vst v0  }
.Ltmp3:
0x24: {  	[tilespmem:s20+$0x20] =	vst v0;
	(pc) =	sbr.rel @p1 .LBB2_15-.Ltmp3, $4  }
0x25: {  	[tilespmem:s20+$0x10] =	vst v0  }
0x26: {  	[tilespmem:s20+$0x0] =	vst v0  }
0x27: {  	[tilespmem:s20+$0xFFFFFFF0] =	vst v0  }
0x28: {  	[tilespmem:s20+$0xFFFFFFE0] =	vst v0  }
0x29: {  	[tilespmem:s20+$0xFFFFFFD0] =	vst v0;
	s20 =	simm.s32 $0x0  }
.LBB2_17:
0x2a: {  	_ =	swait.ge [sflag:s13], $0x4000;
	s20 =	sor.u32 s6, s20  }
0x2b: {  	[sflag:s13] =	ssyncset.done $0x0;
	s20 =	sshrl.u32 s20, $0x3  }
0x2c: {  	[sflag:s13] =	ssyncadd.s32 $0xFFFFC000;
	s20 =	sadd.s32 s2, s20  }
0x2d: {  	[tilespmem:s14], [sflag:$0x2] =	stream.linear.gather [hbm4b:s20+s4], $0x4000, $0x38;
	[tilespmem:$0x18000] =	vst v63  }
0x2e: {  	s20 =	simm.s32 $0x10040;
	v2 =	vld [tilespmem:$0x10000]  }
0x2f: {  	v4 =	vld [tilespmem:s20+$0xFFFFFFD0]  }
0x30: {  	v5 =	vld [tilespmem:s20+$0x30]  }
0x31: {  	v6 =	vld [tilespmem:s20+$0x20]  }
0x32: {  	v7 =	vld [tilespmem:s20+$0x10]  }
0x33: {  	v8 =	vld [tilespmem:s20+$0x0]  }
0x34: {  	v9 =	vld [tilespmem:s20+$0xFFFFFFF0]  }
0x35: {  	v3 =	vld [tilespmem:s20+$0xFFFFFFE0]  }
0x36: {  	[tilespmem:v2+s4+$0x0] =	vst.idx.add.s32.msk $0xffff, v1  }
0x37: {  	[tilespmem:v4+s4+$0x0] =	vst.idx.add.s32.msk $0xffff, v1  }
0x38: {  	v2 =	vld [tilespmem:s20+$0x40]  }
0x39: {  	[tilespmem:v5+s4+$0x0] =	vst.idx.add.s32.msk $0xffff, v1  }
0x3a: {  	[tilespmem:v6+s4+$0x0] =	vst.idx.add.s32.msk $0xffff, v1  }
0x3b: {  	[tilespmem:v7+s4+$0x0] =	vst.idx.add.s32.msk $0xffff, v1  }
0x3c: {  	[tilespmem:v8+s4+$0x0] =	vst.idx.add.s32.msk $0xffff, v1  }
0x3d: {  	p1 =	por p2, p2;
	s23 =	simm.s32 $0x0;
	s21 =	simm.s32 $0x13F90;
	[tilespmem:v9+s4+$0x0] =	vst.idx.add.s32.msk $0xffff, v1  }
.LBB2_18:
0x3e: {  	s23 =	sadd.s32 $0x80, s23;
	[tilespmem:v3+s4+$0x0] =	vst.idx.add.s32.msk $0xffff, v1;
	s20 =	sadd.s32 $0x80, s20;
	s22 =	simm.s32 $0x3F70  }
0x3f: {  	v4 =	vld [tilespmem:s20+$0xFFFFFFD0];
	p2 =	slt.u32 s23, $0x3F00  }
0x40: {  	[tilespmem:v2+s4+$0x0] =	vst.idx.add.s32.msk $0xffff, v1  }
0x41: {  	v5 =	vld [tilespmem:s20+$0x30]  }
0x42: {  	v6 =	vld [tilespmem:s20+$0x20]  }
0x43: {  	v7 =	vld [tilespmem:s20+$0x10]  }
0x44: {  	v8 =	vld [tilespmem:s20+$0x0]  }
0x45: {  	v9 =	vld [tilespmem:s20+$0xFFFFFFF0]  }
0x46: {  	v3 =	vld [tilespmem:s20+$0xFFFFFFE0]  }
0x47: {  	[tilespmem:v4+s4+$0x0] =	vst.idx.add.s32.msk $0xffff, v1  }
0x48: {  	v2 =	vld [tilespmem:s20+$0x40]  }
.Ltmp4:
0x49: {  	[tilespmem:v5+s4+$0x0] =	vst.idx.add.s32.msk $0xffff, v1;
	(pc) =	sbr.rel @p2 .LBB2_18-.Ltmp4, $4  }
0x4a: {  	[tilespmem:v6+s4+$0x0] =	vst.idx.add.s32.msk $0xffff, v1  }
0x4b: {  	[tilespmem:v7+s4+$0x0] =	vst.idx.add.s32.msk $0xffff, v1  }
0x4c: {  	[tilespmem:v8+s4+$0x0] =	vst.idx.add.s32.msk $0xffff, v1  }
0x4d: {  	[tilespmem:v9+s4+$0x0] =	vst.idx.add.s32.msk $0xffff, v1  }
0x4e: {  	_ =	sdelay $0x3  }
0x4f: {  	[tilespmem:v3+s4+$0x0] =	vst.idx.add.s32.msk $0xffff, v1  }
.LBB2_20:
0x50: {  	_ =	sdelay $0x1  }
0x51: {  	s22 =	sadd.s32 $0x10, s22  }
0x52: {  	p2 =	slt.u32 s22, $0x3FE0;
	v3 =	vmov v2  }
.Ltmp5:
0x53: {  	_ = 	snop;
	(pc) =	sbr.rel @p2 .LBB2_20-.Ltmp5, $3  }
0x54: {  	_ =	sdelay $0x1  }
0x55: {  	v2 =	vld [tilespmem:s21+$0x0]  }
0x56: {  	s21 =	sadd.s32 $0x10, s21;
	[tilespmem:v3+s4+$0x0] =	vst.idx.add.s32.msk $0xffff, v1  }
0x57: {  	_ =	sdelay $0x6  }
0x58: {  	[tilespmem:v2+s4+$0x0] =	vst.idx.add.s32.msk $0xffff, v1  }
0x59: {  	_ =	swait.ge [sflag:s15], $0x4000  }
0x5a: {  	[sflag:s15] =	ssyncset.done $0x0  }
0x5b: {  	s20 =	simm.s32 @p1 $0x0;
	s21 =	simm.s32 @p1 $0x10000;
	[sflag:s15] =	ssyncadd.s32 $0xFFFFC000  }
0x5c: {  	[tilespmem:s21], [sflag:$0x1] =	stream.linear.gather @p1 [hbm4b:s9+s20], $0x4000, $0x38;
	[tilespmem:$0x18000] =	vst v63  }
0x5d: {  	s20 =	simm.s32 $0x14040;
	v2 =	vld [tilespmem:$0x14000]  }
0x5e: {  	v4 =	vld [tilespmem:s20+$0xFFFFFFD0]  }
0x5f: {  	v5 =	vld [tilespmem:s20+$0x30]  }
0x60: {  	v6 =	vld [tilespmem:s20+$0x20]  }
0x61: {  	v7 =	vld [tilespmem:s20+$0x10]  }
0x62: {  	v8 =	vld [tilespmem:s20+$0x0]  }
0x63: {  	v9 =	vld [tilespmem:s20+$0xFFFFFFF0]  }
0x64: {  	v3 =	vld [tilespmem:s20+$0xFFFFFFE0]  }
0x65: {  	[tilespmem:v2+s4+$0x0] =	vst.idx.add.s32.msk $0xffff, v1  }
0x66: {  	[tilespmem:v4+s4+$0x0] =	vst.idx.add.s32.msk $0xffff, v1  }
0x67: {  	v2 =	vld [tilespmem:s20+$0x40]  }
0x68: {  	[tilespmem:v5+s4+$0x0] =	vst.idx.add.s32.msk $0xffff, v1  }
0x69: {  	[tilespmem:v6+s4+$0x0] =	vst.idx.add.s32.msk $0xffff, v1  }
0x6a: {  	[tilespmem:v7+s4+$0x0] =	vst.idx.add.s32.msk $0xffff, v1  }
0x6b: {  	[tilespmem:v8+s4+$0x0] =	vst.idx.add.s32.msk $0xffff, v1  }
0x6c: {  	s22 =	simm.s32 $0x0;
	s21 =	simm.s32 $0x17F90;
	[tilespmem:v9+s4+$0x0] =	vst.idx.add.s32.msk $0xffff, v1  }
.LBB2_22:
0x6d: {  	s22 =	sadd.s32 $0x80, s22;
	[tilespmem:v3+s4+$0x0] =	vst.idx.add.s32.msk $0xffff, v1;
	s20 =	sadd.s32 $0x80, s20  }
0x6e: {  	v4 =	vld [tilespmem:s20+$0xFFFFFFD0];
	p2 =	slt.u32 s22, $0x3F00  }
0x6f: {  	[tilespmem:v2+s4+$0x0] =	vst.idx.add.s32.msk $0xffff, v1  }
0x70: {  	v5 =	vld [tilespmem:s20+$0x30]  }
0x71: {  	v6 =	vld [tilespmem:s20+$0x20]  }
0x72: {  	v7 =	vld [tilespmem:s20+$0x10]  }
0x73: {  	v8 =	vld [tilespmem:s20+$0x0]  }
0x74: {  	v9 =	vld [tilespmem:s20+$0xFFFFFFF0]  }
0x75: {  	v3 =	vld [tilespmem:s20+$0xFFFFFFE0]  }
0x76: {  	[tilespmem:v4+s4+$0x0] =	vst.idx.add.s32.msk $0xffff, v1  }
0x77: {  	v2 =	vld [tilespmem:s20+$0x40]  }
.Ltmp6:
0x78: {  	[tilespmem:v5+s4+$0x0] =	vst.idx.add.s32.msk $0xffff, v1;
	(pc) =	sbr.rel @p2 .LBB2_22-.Ltmp6, $4  }
0x79: {  	[tilespmem:v6+s4+$0x0] =	vst.idx.add.s32.msk $0xffff, v1  }
0x7a: {  	[tilespmem:v7+s4+$0x0] =	vst.idx.add.s32.msk $0xffff, v1  }
0x7b: {  	[tilespmem:v8+s4+$0x0] =	vst.idx.add.s32.msk $0xffff, v1  }
0x7c: {  	[tilespmem:v9+s4+$0x0] =	vst.idx.add.s32.msk $0xffff, v1  }
0x7d: {  	_ =	sdelay $0x3  }
0x7e: {  	[tilespmem:v3+s4+$0x0] =	vst.idx.add.s32.msk $0xffff, v1;
	s20 =	simm.s32 $0x3F70  }
.LBB2_24:
0x7f: {  	_ =	sdelay $0x1  }
0x80: {  	s20 =	sadd.s32 $0x10, s20  }
0x81: {  	p2 =	slt.u32 s20, $0x3FE0;
	v3 =	vmov v2  }
.Ltmp7:
0x82: {  	_ = 	snop;
	(pc) =	sbr.rel @p2 .LBB2_24-.Ltmp7, $3  }
0x83: {  	_ =	sdelay $0x1  }
0x84: {  	v2 =	vld [tilespmem:s21+$0x0]  }
0x85: {  	s21 =	sadd.s32 $0x10, s21;
	[tilespmem:v3+s4+$0x0] =	vst.idx.add.s32.msk $0xffff, v1  }
0x86: {  	_ =	sdelay $0x2  }
.Ltmp8:
0x87: {  	_ = 	snop;
	(pc) =	sbr.rel @p1 .LBB2_17-.Ltmp8, $4  }
.Ltmp9:
0x88: {  	_ = 	snop;
	(pc) =	sbr.rel @!p1 .LBB2_26-.Ltmp9, $4  }
0x89: {  	_ = 	snop  }
0x8a: {  	_ = 	snop  }
0x8b: {  	s20 =	simm.s32 $0x8000;
	p2 =	por $0x0, $0x0;
	[tilespmem:v2+s4+$0x0] =	vst.idx.add.s32.msk $0xffff, v1  }
0x8c: {  	_ = 	snop  }
.LBB2_2:
0x8d: {  	[tilespmem:s12], [sflag:$0x1] =	stream.linear.gather [hbm4b:s5+s4], $0x4000, $0x38;
	[tilespmem:$0x18000] =	vst v63  }
0x8e: {  	s20 =	simm.s32 $0x40  }
0x8f: {  	[tilespmem:s20+$0xFFFFFFC0] =	vst v0  }
0x90: {  	[tilespmem:s20+$0x30] =	vst v0  }
0x91: {  	[tilespmem:s20+$0x20] =	vst v0  }
0x92: {  	[tilespmem:s20+$0x10] =	vst v0  }
0x93: {  	[tilespmem:s20+$0x0] =	vst v0  }
0x94: {  	[tilespmem:s20+$0xFFFFFFF0] =	vst v0  }
0x95: {  	s21 =	simm.s32 $0x0;
	p2 =	por $0x1, $0x1;
	[tilespmem:s20+$0xFFFFFFE0] =	vst v0  }
.LBB2_3:
0x96: {  	s21 =	sadd.s32 $0x80, s21;
	[tilespmem:s20+$0xFFFFFFD0] =	vst v0;
	s20 =	sadd.s32 $0x80, s20  }
0x97: {  	[tilespmem:s20+$0xFFFFFFC0] =	vst v0;
	p1 =	slt.u32 s21, $0xFF80  }
0x98: {  	[tilespmem:s20+$0x30] =	vst v0  }
.Ltmp10:
0x99: {  	[tilespmem:s20+$0x20] =	vst v0;
	(pc) =	sbr.rel @p1 .LBB2_3-.Ltmp10, $4  }
0x9a: {  	[tilespmem:s20+$0x10] =	vst v0  }
0x9b: {  	[tilespmem:s20+$0x0] =	vst v0  }
0x9c: {  	[tilespmem:s20+$0xFFFFFFF0] =	vst v0  }
0x9d: {  	[tilespmem:s20+$0xFFFFFFE0] =	vst v0  }
0x9e: {  	[tilespmem:s20+$0xFFFFFFD0] =	vst v0;
	s20 =	simm.s32 $0x0  }
.LBB2_5:
0x9f: {  	_ =	swait.ge [sflag:s13], $0x4000;
	s20 =	sor.u32 s6, s20  }
0xa0: {  	[sflag:s13] =	ssyncset.done $0x0;
	s20 =	sshrl.u32 s20, $0x3  }
0xa1: {  	[sflag:s13] =	ssyncadd.s32 $0xFFFFC000;
	s20 =	sadd.s32 s1, s20  }
0xa2: {  	[tilespmem:s14], [sflag:$0x2] =	stream.linear.gather [hbm4b:s20+s4], $0x4000, $0x38;
	[tilespmem:$0x18000] =	vst v63  }
0xa3: {  	s20 =	simm.s32 $0x10040;
	v2 =	vld [tilespmem:$0x10000]  }
0xa4: {  	v4 =	vld [tilespmem:s20+$0xFFFFFFD0]  }
0xa5: {  	v5 =	vld [tilespmem:s20+$0x30]  }
0xa6: {  	v6 =	vld [tilespmem:s20+$0x20]  }
0xa7: {  	v7 =	vld [tilespmem:s20+$0x10]  }
0xa8: {  	v8 =	vld [tilespmem:s20+$0x0]  }
0xa9: {  	v9 =	vld [tilespmem:s20+$0xFFFFFFF0]  }
0xaa: {  	v3 =	vld [tilespmem:s20+$0xFFFFFFE0]  }
0xab: {  	[tilespmem:v2+s4+$0x0] =	vst.idx.add.s32.msk $0xffff, v1  }
0xac: {  	[tilespmem:v4+s4+$0x0] =	vst.idx.add.s32.msk $0xffff, v1  }
0xad: {  	v2 =	vld [tilespmem:s20+$0x40]  }
0xae: {  	[tilespmem:v5+s4+$0x0] =	vst.idx.add.s32.msk $0xffff, v1  }
0xaf: {  	[tilespmem:v6+s4+$0x0] =	vst.idx.add.s32.msk $0xffff, v1  }
0xb0: {  	[tilespmem:v7+s4+$0x0] =	vst.idx.add.s32.msk $0xffff, v1  }
0xb1: {  	[tilespmem:v8+s4+$0x0] =	vst.idx.add.s32.msk $0xffff, v1  }
0xb2: {  	p1 =	por p2, p2;
	s23 =	simm.s32 $0x0;
	s21 =	simm.s32 $0x13F90;
	[tilespmem:v9+s4+$0x0] =	vst.idx.add.s32.msk $0xffff, v1  }
.LBB2_6:
0xb3: {  	s23 =	sadd.s32 $0x80, s23;
	[tilespmem:v3+s4+$0x0] =	vst.idx.add.s32.msk $0xffff, v1;
	s20 =	sadd.s32 $0x80, s20;
	s22 =	simm.s32 $0x3F70  }
0xb4: {  	v4 =	vld [tilespmem:s20+$0xFFFFFFD0];
	p2 =	slt.u32 s23, $0x3F00  }
0xb5: {  	[tilespmem:v2+s4+$0x0] =	vst.idx.add.s32.msk $0xffff, v1  }
0xb6: {  	v5 =	vld [tilespmem:s20+$0x30]  }
0xb7: {  	v6 =	vld [tilespmem:s20+$0x20]  }
0xb8: {  	v7 =	vld [tilespmem:s20+$0x10]  }
0xb9: {  	v8 =	vld [tilespmem:s20+$0x0]  }
0xba: {  	v9 =	vld [tilespmem:s20+$0xFFFFFFF0]  }
0xbb: {  	v3 =	vld [tilespmem:s20+$0xFFFFFFE0]  }
0xbc: {  	[tilespmem:v4+s4+$0x0] =	vst.idx.add.s32.msk $0xffff, v1  }
0xbd: {  	v2 =	vld [tilespmem:s20+$0x40]  }
.Ltmp11:
0xbe: {  	[tilespmem:v5+s4+$0x0] =	vst.idx.add.s32.msk $0xffff, v1;
	(pc) =	sbr.rel @p2 .LBB2_6-.Ltmp11, $4  }
0xbf: {  	[tilespmem:v6+s4+$0x0] =	vst.idx.add.s32.msk $0xffff, v1  }
0xc0: {  	[tilespmem:v7+s4+$0x0] =	vst.idx.add.s32.msk $0xffff, v1  }
0xc1: {  	[tilespmem:v8+s4+$0x0] =	vst.idx.add.s32.msk $0xffff, v1  }
0xc2: {  	[tilespmem:v9+s4+$0x0] =	vst.idx.add.s32.msk $0xffff, v1  }
0xc3: {  	_ =	sdelay $0x3  }
0xc4: {  	[tilespmem:v3+s4+$0x0] =	vst.idx.add.s32.msk $0xffff, v1  }
.LBB2_8:
0xc5: {  	_ =	sdelay $0x1  }
0xc6: {  	s22 =	sadd.s32 $0x10, s22  }
0xc7: {  	p2 =	slt.u32 s22, $0x3FE0;
	v3 =	vmov v2  }
.Ltmp12:
0xc8: {  	_ = 	snop;
	(pc) =	sbr.rel @p2 .LBB2_8-.Ltmp12, $3  }
0xc9: {  	_ =	sdelay $0x1  }
0xca: {  	v2 =	vld [tilespmem:s21+$0x0]  }
0xcb: {  	s21 =	sadd.s32 $0x10, s21;
	[tilespmem:v3+s4+$0x0] =	vst.idx.add.s32.msk $0xffff, v1  }
0xcc: {  	_ =	sdelay $0x6  }
0xcd: {  	[tilespmem:v2+s4+$0x0] =	vst.idx.add.s32.msk $0xffff, v1  }
0xce: {  	_ =	swait.ge [sflag:s15], $0x4000  }
0xcf: {  	[sflag:s15] =	ssyncset.done $0x0  }
0xd0: {  	s20 =	simm.s32 @p1 $0x0;
	s21 =	simm.s32 @p1 $0x10000;
	[sflag:s15] =	ssyncadd.s32 $0xFFFFC000  }
0xd1: {  	[tilespmem:s21], [sflag:$0x1] =	stream.linear.gather @p1 [hbm4b:s8+s20], $0x4000, $0x38;
	[tilespmem:$0x18000] =	vst v63  }
0xd2: {  	s20 =	simm.s32 $0x14040;
	v2 =	vld [tilespmem:$0x14000]  }
0xd3: {  	v4 =	vld [tilespmem:s20+$0xFFFFFFD0]  }
0xd4: {  	v5 =	vld [tilespmem:s20+$0x30]  }
0xd5: {  	v6 =	vld [tilespmem:s20+$0x20]  }
0xd6: {  	v7 =	vld [tilespmem:s20+$0x10]  }
0xd7: {  	v8 =	vld [tilespmem:s20+$0x0]  }
0xd8: {  	v9 =	vld [tilespmem:s20+$0xFFFFFFF0]  }
0xd9: {  	v3 =	vld [tilespmem:s20+$0xFFFFFFE0]  }
0xda: {  	[tilespmem:v2+s4+$0x0] =	vst.idx.add.s32.msk $0xffff, v1  }
0xdb: {  	[tilespmem:v4+s4+$0x0] =	vst.idx.add.s32.msk $0xffff, v1  }
0xdc: {  	v2 =	vld [tilespmem:s20+$0x40]  }
0xdd: {  	[tilespmem:v5+s4+$0x0] =	vst.idx.add.s32.msk $0xffff, v1  }
0xde: {  	[tilespmem:v6+s4+$0x0] =	vst.idx.add.s32.msk $0xffff, v1  }
0xdf: {  	[tilespmem:v7+s4+$0x0] =	vst.idx.add.s32.msk $0xffff, v1  }
0xe0: {  	[tilespmem:v8+s4+$0x0] =	vst.idx.add.s32.msk $0xffff, v1  }
0xe1: {  	s22 =	simm.s32 $0x0;
	s21 =	simm.s32 $0x17F90;
	[tilespmem:v9+s4+$0x0] =	vst.idx.add.s32.msk $0xffff, v1  }
.LBB2_10:
0xe2: {  	s22 =	sadd.s32 $0x80, s22;
	[tilespmem:v3+s4+$0x0] =	vst.idx.add.s32.msk $0xffff, v1;
	s20 =	sadd.s32 $0x80, s20  }
0xe3: {  	v4 =	vld [tilespmem:s20+$0xFFFFFFD0];
	p2 =	slt.u32 s22, $0x3F00  }
0xe4: {  	[tilespmem:v2+s4+$0x0] =	vst.idx.add.s32.msk $0xffff, v1  }
0xe5: {  	v5 =	vld [tilespmem:s20+$0x30]  }
0xe6: {  	v6 =	vld [tilespmem:s20+$0x20]  }
0xe7: {  	v7 =	vld [tilespmem:s20+$0x10]  }
0xe8: {  	v8 =	vld [tilespmem:s20+$0x0]  }
0xe9: {  	v9 =	vld [tilespmem:s20+$0xFFFFFFF0]  }
0xea: {  	v3 =	vld [tilespmem:s20+$0xFFFFFFE0]  }
0xeb: {  	[tilespmem:v4+s4+$0x0] =	vst.idx.add.s32.msk $0xffff, v1  }
0xec: {  	v2 =	vld [tilespmem:s20+$0x40]  }
.Ltmp13:
0xed: {  	[tilespmem:v5+s4+$0x0] =	vst.idx.add.s32.msk $0xffff, v1;
	(pc) =	sbr.rel @p2 .LBB2_10-.Ltmp13, $4  }
0xee: {  	[tilespmem:v6+s4+$0x0] =	vst.idx.add.s32.msk $0xffff, v1  }
0xef: {  	[tilespmem:v7+s4+$0x0] =	vst.idx.add.s32.msk $0xffff, v1  }
0xf0: {  	[tilespmem:v8+s4+$0x0] =	vst.idx.add.s32.msk $0xffff, v1  }
0xf1: {  	[tilespmem:v9+s4+$0x0] =	vst.idx.add.s32.msk $0xffff, v1  }
0xf2: {  	_ =	sdelay $0x3  }
0xf3: {  	[tilespmem:v3+s4+$0x0] =	vst.idx.add.s32.msk $0xffff, v1;
	s20 =	simm.s32 $0x3F70  }
.LBB2_12:
0xf4: {  	_ =	sdelay $0x1  }
0xf5: {  	s20 =	sadd.s32 $0x10, s20  }
0xf6: {  	p2 =	slt.u32 s20, $0x3FE0;
	v3 =	vmov v2  }
.Ltmp14:
0xf7: {  	_ = 	snop;
	(pc) =	sbr.rel @p2 .LBB2_12-.Ltmp14, $3  }
0xf8: {  	_ =	sdelay $0x1  }
0xf9: {  	v2 =	vld [tilespmem:s21+$0x0]  }
0xfa: {  	s21 =	sadd.s32 $0x10, s21;
	[tilespmem:v3+s4+$0x0] =	vst.idx.add.s32.msk $0xffff, v1  }
0xfb: {  	_ =	sdelay $0x2  }
.Ltmp15:
0xfc: {  	_ = 	snop;
	(pc) =	sbr.rel @p1 .LBB2_5-.Ltmp15, $4  }
.Ltmp16:
0xfd: {  	_ = 	snop;
	(pc) =	sbr.rel @!p1 .LBB2_26-.Ltmp16, $4  }
0xfe: {  	_ = 	snop  }
0xff: {  	_ = 	snop  }
0x100: {  	s20 =	simm.s32 $0x8000;
	p2 =	por $0x0, $0x0;
	[tilespmem:v2+s4+$0x0] =	vst.idx.add.s32.msk $0xffff, v1  }
0x101: {  	_ = 	snop  }
.LBB2_27:
0x102: {  	_ =	sfence.sel $0x180000  }
0x103: {  	[bflag:$0x0] =	sbarrier.arrive $0xFFFF  }
0x104: {  	p0 =	sne.s32 s0, $0x0;
	_ =	strace $0x90000047  }
0x105: {  	s0 =	sadd.s32 @!p0 $0x100000, s3;
	[bflag:$0x2] =	sbarrier.arrive $0xFFFF  }
0x106: {  	[sflag:s0] =	ssyncadd.tile.s32 @!p0 $0x1;
	_ =	shalt  }
.Lfunc_end2:
_tile_overlayer_lowered:
.L_overlay_start_2:
0x107: {  	(tag) =	ssettag $0x2  }
0x108: {  	s0 =	rddreg [dreg:$0x0];
	s2 =	stileid.u32  }
0x109: {  	s1 =	rddreg [dreg:$0x1];
	p0 =	sne.s32 s2, $0x0  }
0x10a: {  	s3 =	rddreg [dreg:$0x2];
	[bflag:$0x3] =	sbarrier.arrive $0xFFFF;
	s2 =	simm.s32 @!p0 $0x1C03  }
0x10b: {  	[timem:s3], [sflag:s2] =	dma.local @!p0 [hbm:s0], s1  }
0x10c: {  	s0 =	simm.s32 @!p0 $0x3  }
0x10d: {  	_ =	swait.ge @!p0 [sflag:s0], s1  }
0x10e: {  	s1 =	ssub.s32 @!p0 $0x0, s1;
	[sflag:s0] =	ssyncset.done @!p0 $0x0  }
0x10f: {  	[sflag:s0] =	ssyncadd.s32 @!p0 s1  }
0x110: {  	[bflag:$0x3] =	sbarrier.arrive $0xFFFF  }
0x111: {  	_ =	shalt  }

</sc_bundles>
